<compile_context>
chip_gen: v7x
topology: tpu7x:2x2x1
jax: 0.10.2.dev20260603
libtpu: 0.0.44.dev20260713+nightly
codegen_flags: <defaults>
</compile_context>

<pallas_src>
import jax
import jax.numpy as jnp
from jax import lax
from jax.experimental import pallas as pl
from jax.experimental.pallas import tpu as pltpu
from jax.experimental.pallas import tpu_sc as plsc

B, L = 32, 20
V, E, H = 100000, 128, 512
T = L + 1
M = T * B


_NW = 32
_BP = 768
_B_PER_W = _BP // _NW


_XROWS = B + _BP


def _sc_gather_body(table_hbm, idx_hbm, feat_hbm, x_hbm,
                    idx_v, rows_v, feat_v, sem, fsem):
    wid = lax.axis_index("s") * 2 + lax.axis_index("c")
    base = wid * _B_PER_W
    feat_cp = pltpu.async_copy(feat_hbm.at[pl.ds(wid, 1)], feat_v, fsem)
    pltpu.sync_copy(idx_hbm.at[pl.ds(base, _B_PER_W)], idx_v)
    gather = pltpu.async_copy(table_hbm.at[idx_v], rows_v, sem)
    feat_cp.wait()
    pltpu.sync_copy(feat_v, x_hbm.at[pl.ds(wid, 1)])
    gather.wait()
    pltpu.sync_copy(rows_v, x_hbm.at[pl.ds(B + base, _B_PER_W)])


def _sc_gather(table, idx_padded, features):
    k = pl.kernel(
        _sc_gather_body,
        out_type=jax.ShapeDtypeStruct((_XROWS, E), jnp.float32),
        mesh=plsc.VectorSubcoreMesh(core_axis_name="c", subcore_axis_name="s"),
        scratch_types=[
            pltpu.VMEM((_B_PER_W,), jnp.int32),
            pltpu.VMEM((_B_PER_W, E), jnp.float32),
            pltpu.VMEM((1, E), jnp.float32),
            pltpu.SemaphoreType.DMA,
            pltpu.SemaphoreType.DMA,
        ],
    )
    return k(table, idx_padded, features)



TV = 6144


def _dense_body(x_ref, w1_ref, b1_ref, w2t_ref, b2_ref, out_ref, h_ref):
    @pl.when(pl.program_id(0) == 0)
    def _():
        h = jnp.dot(x_ref[...], w1_ref[...],
                    preferred_element_type=jnp.float32,
                    precision=lax.Precision.HIGHEST)
        h_ref[...] = (h + b1_ref[...]).astype(jnp.bfloat16)

    acc = lax.dot_general(h_ref[...], w2t_ref[...].astype(jnp.bfloat16),
                          dimension_numbers=(((1,), (1,)), ((), ())),
                          preferred_element_type=jnp.float32)
    acc = acc + b2_ref[...]
    out_ref[...] = acc.reshape(T, B, TV)


def _dense(x, W1, b1, W2T, b2):
    nt = pl.cdiv(V, TV)
    return pl.pallas_call(
        _dense_body,
        grid=(nt,),
        in_specs=[
            pl.BlockSpec((M, E), lambda j: (0, 0)),
            pl.BlockSpec((E, H), lambda j: (0, 0)),
            pl.BlockSpec((1, H), lambda j: (0, 0)),
            pl.BlockSpec((TV, H), lambda j: (j, 0)),
            pl.BlockSpec((1, TV), lambda j: (0, j)),
        ],
        out_specs=pl.BlockSpec((T, B, TV), lambda j: (0, 0, j)),
        out_shape=jax.ShapeDtypeStruct((T, B, V), jnp.float32),
        scratch_shapes=[pltpu.VMEM((M, H), jnp.bfloat16)],
        compiler_params=pltpu.CompilerParams(
            dimension_semantics=("arbitrary",),
            vmem_limit_bytes=128 * 1024 * 1024,
        ),
    )(x, W1, b1, W2T, b2)


def kernel(features, captions, table, W1, b1, W2, b2):
    idx = captions.T.reshape(-1)
    idx_padded = jnp.concatenate(
        [idx, jnp.zeros((_BP - B * L,), jnp.int32)])
    x = _sc_gather(table, idx_padded, features)
    out_t = _dense(x, W1, b1.reshape(1, H), W2.T, b2.reshape(1, V))
    return out_t.transpose(1, 0, 2)

# --- scband reference (transcript-rebuilt; emitter-appended) ---
"""Pipeline reference for scband-decoder-rnn-8632884265030 (READ-ONLY COPY).

The authoritative reference and input builder live on the scoring server;
editing this copy changes nothing except your own understanding.
"""

import jax, jax.numpy as jnp
import numpy as np

B, L = 32, 20
V, E, H = 100000, 128, 512


def setup_inputs(seed: int = 0) -> dict:
    key = jax.random.key(seed)
    ks = jax.random.split(key, 8)
    features = jax.random.normal(ks[0], (B, E), dtype=jnp.float32)
    captions = jax.random.randint(ks[1], (B, L), 0, V, dtype=jnp.int32)
    table = jax.random.normal(ks[2], (V, E), dtype=jnp.float32) * 0.02
    W1 = jax.random.normal(ks[3], (E, H), dtype=jnp.float32) * (1.0 / np.sqrt(E))
    b1 = jnp.zeros((H,), dtype=jnp.float32)
    W2 = jax.random.normal(ks[4], (H, V), dtype=jnp.float32) * (1.0 / np.sqrt(H))
    b2 = jnp.zeros((V,), dtype=jnp.float32)
    return {"features": features, "captions": captions, "table": table,
            "W1": W1, "b1": b1, "W2": W2, "b2": b2}


def reference(features, captions, table, W1, b1, W2, b2):
    # embeddings = self.embed(captions)
    emb = jnp.take(table, captions, axis=0)  # [B, L, E]
    # embeddings = torch.cat((features.unsqueeze(1), embeddings), 1)
    x = jnp.concatenate([features[:, None, :], emb], axis=1)  # [B, L+1, E]
    # outputs = self.linear(embeddings)
    h = x @ W1 + b1  # [B, L+1, H]
    # outputs = self.linear2(outputs)
    out = h @ W2 + b2  # [B, L+1, V]
    return out

if __name__ == "__main__":
    import jax
    _d = setup_inputs()
    print(jax.jit(kernel)(*tuple(_d.values())))

</pallas_src>

<mosaic_0001>
#map = affine_map<(d0, d1) -> (0, 0)>
#map1 = affine_map<(d0, d1) -> (0)>
module attributes {stable_mosaic.version = 14 : i64} {
  func.func @_sc_gather_body(%arg0: i32, %arg1: i32, %arg2: memref<100000x128xf32, #tpu.memory_space<hbm>>, %arg3: memref<768xi32, #tpu.memory_space<hbm>>, %arg4: memref<32x128xf32, #tpu.memory_space<hbm>>, %arg5: memref<800x128xf32, #tpu.memory_space<hbm>>, %arg6: memref<24xi32, #tpu.memory_space<vmem>>, %arg7: memref<24x128xf32, #tpu.memory_space<vmem>>, %arg8: memref<1x128xf32, #tpu.memory_space<vmem>>, %arg9: memref<!tpu.dma_semaphore, #tpu.memory_space<semaphore_mem>>, %arg10: memref<!tpu.dma_semaphore, #tpu.memory_space<semaphore_mem>>) attributes {dimension_semantics = [#tpu.dimension_semantics<core_parallel>, #tpu.dimension_semantics<subcore_parallel>], iteration_bounds = array<i64: 2, 16>, scalar_prefetch = 0 : i64, scratch_operands = 5 : i64, tpu.core_type = #tpu.core_type<sc_vector_subcore>, window_params = [{transform_indices = #map}, {transform_indices = #map1}, {transform_indices = #map}, {transform_indices = #map}]} {
    %mul3A = arith.constant 2 : i32
    %mul3A_0 = arith.muli %arg1, %mul3A : i32
    %add3A = arith.addi %mul3A_0, %arg0 : i32
    %mul3A_1 = arith.constant 24 : i32
    %mul3A_2 = arith.muli %add3A, %mul3A_1 : i32
    %dma_start3A = arith.constant 0 : i32
    %dma_start3A_3 = tpu.memref_slice %arg4[%add3A, %dma_start3A] : memref<32x128xf32, #tpu.memory_space<hbm>> -> memref<1x128xf32, #tpu.memory_space<hbm>>
    %dma_start3A_4 = arith.constant 0 : i32
    %dma_start3A_5 = tpu.memref_slice %arg4[%add3A, %dma_start3A_4] : memref<32x128xf32, #tpu.memory_space<hbm>> -> memref<1x128xf32, #tpu.memory_space<hbm>>
    tpu.enqueue_dma source(%dma_start3A_5 : memref<1x128xf32, #tpu.memory_space<hbm>>) target(%arg8 : memref<1x128xf32, #tpu.memory_space<vmem>>) target_semaphore(%arg10 : memref<!tpu.dma_semaphore, #tpu.memory_space<semaphore_mem>>)
    "tpu.region"() ({
      %run_scoped3A = tpu.sem_alloc : memref<!tpu.dma_semaphore, #tpu.memory_space<semaphore_mem>>
      %dma_start3A_17 = tpu.memref_slice %arg3[%mul3A_2] : memref<768xi32, #tpu.memory_space<hbm>> -> memref<24xi32, #tpu.memory_space<hbm>>
      %dma_start3A_18 = tpu.memref_slice %arg3[%mul3A_2] : memref<768xi32, #tpu.memory_space<hbm>> -> memref<24xi32, #tpu.memory_space<hbm>>
      tpu.enqueue_dma source(%dma_start3A_18 : memref<24xi32, #tpu.memory_space<hbm>>) target(%arg6 : memref<24xi32, #tpu.memory_space<vmem>>) target_semaphore(%run_scoped3A : memref<!tpu.dma_semaphore, #tpu.memory_space<semaphore_mem>>)
      %dma_wait3A_19 = tpu.memref_slice %arg3[%mul3A_2] : memref<768xi32, #tpu.memory_space<hbm>> -> memref<24xi32, #tpu.memory_space<hbm>>
      %dma_wait3A_20 = tpu.memref_slice %arg3[%mul3A_2] : memref<768xi32, #tpu.memory_space<hbm>> -> memref<24xi32, #tpu.memory_space<hbm>>
      tpu.wait_dma2 semaphore(%run_scoped3A : memref<!tpu.dma_semaphore, #tpu.memory_space<semaphore_mem>>) src(%dma_wait3A_20 : memref<24xi32, #tpu.memory_space<hbm>>) dst(%arg6 : memref<24xi32, #tpu.memory_space<vmem>>)
      tpu.yield
    }) : () -> ()
    %dma_start3A_6 = arith.constant 0 : i32
    %dma_start3A_7 = arith.constant 0 : i32
    %dma_start3A_8 = tpu.memref_slice %arg2[%dma_start3A_6, %dma_start3A_7] : memref<100000x128xf32, #tpu.memory_space<hbm>> -> memref<100000x128xf32, #tpu.memory_space<hbm>>
    tpu.enqueue_indirect_dma source(%dma_start3A_8 : memref<100000x128xf32, #tpu.memory_space<hbm>>) target(%arg7 : memref<24x128xf32, #tpu.memory_space<vmem>>) offsets(%arg6 : memref<24xi32, #tpu.memory_space<vmem>>) semaphore(%arg9 : memref<!tpu.dma_semaphore, #tpu.memory_space<semaphore_mem>>)
    %dma_wait3A = arith.constant 0 : i32
    %dma_wait3A_9 = tpu.memref_slice %arg4[%add3A, %dma_wait3A] : memref<32x128xf32, #tpu.memory_space<hbm>> -> memref<1x128xf32, #tpu.memory_space<hbm>>
    %dma_wait3A_10 = arith.constant 0 : i32
    %dma_wait3A_11 = tpu.memref_slice %arg4[%add3A, %dma_wait3A_10] : memref<32x128xf32, #tpu.memory_space<hbm>> -> memref<1x128xf32, #tpu.memory_space<hbm>>
    tpu.wait_dma2 semaphore(%arg10 : memref<!tpu.dma_semaphore, #tpu.memory_space<semaphore_mem>>) src(%dma_wait3A_11 : memref<1x128xf32, #tpu.memory_space<hbm>>) dst(%arg8 : memref<1x128xf32, #tpu.memory_space<vmem>>)
    "tpu.region"() ({
      %run_scoped3A = tpu.sem_alloc : memref<!tpu.dma_semaphore, #tpu.memory_space<semaphore_mem>>
      %dma_start3A_17 = arith.constant 0 : i32
      %dma_start3A_18 = tpu.memref_slice %arg5[%add3A, %dma_start3A_17] : memref<800x128xf32, #tpu.memory_space<hbm>> -> memref<1x128xf32, #tpu.memory_space<hbm>>
      %dma_start3A_19 = arith.constant 0 : i32
      %dma_start3A_20 = tpu.memref_slice %arg5[%add3A, %dma_start3A_19] : memref<800x128xf32, #tpu.memory_space<hbm>> -> memref<1x128xf32, #tpu.memory_space<hbm>>
      tpu.enqueue_dma source(%arg8 : memref<1x128xf32, #tpu.memory_space<vmem>>) target(%dma_start3A_20 : memref<1x128xf32, #tpu.memory_space<hbm>>) target_semaphore(%run_scoped3A : memref<!tpu.dma_semaphore, #tpu.memory_space<semaphore_mem>>)
      %dma_wait3A_21 = arith.constant 0 : i32
      %dma_wait3A_22 = tpu.memref_slice %arg5[%add3A, %dma_wait3A_21] : memref<800x128xf32, #tpu.memory_space<hbm>> -> memref<1x128xf32, #tpu.memory_space<hbm>>
      %dma_wait3A_23 = arith.constant 0 : i32
      %dma_wait3A_24 = tpu.memref_slice %arg5[%add3A, %dma_wait3A_23] : memref<800x128xf32, #tpu.memory_space<hbm>> -> memref<1x128xf32, #tpu.memory_space<hbm>>
      tpu.wait_dma2 semaphore(%run_scoped3A : memref<!tpu.dma_semaphore, #tpu.memory_space<semaphore_mem>>) src(%arg8 : memref<1x128xf32, #tpu.memory_space<vmem>>) dst(%dma_wait3A_24 : memref<1x128xf32, #tpu.memory_space<hbm>>)
      tpu.yield
    }) : () -> ()
    %dma_wait3A_12 = arith.constant 0 : i32
    %dma_wait3A_13 = arith.constant 0 : i32
    %dma_wait3A_14 = tpu.memref_slice %arg2[%dma_wait3A_12, %dma_wait3A_13] : memref<100000x128xf32, #tpu.memory_space<hbm>> -> memref<100000x128xf32, #tpu.memory_space<hbm>>
    tpu.wait_indirect_dma semaphore(%arg9 : memref<!tpu.dma_semaphore, #tpu.memory_space<semaphore_mem>>) src(%dma_wait3A_14 : memref<100000x128xf32, #tpu.memory_space<hbm>>) dst(%arg7 : memref<24x128xf32, #tpu.memory_space<vmem>>)
    %add3A_15 = arith.constant 32 : i32
    %add3A_16 = arith.addi %add3A_15, %mul3A_2 : i32
    "tpu.region"() ({
      %run_scoped3A = tpu.sem_alloc : memref<!tpu.dma_semaphore, #tpu.memory_space<semaphore_mem>>
      %dma_start3A_17 = arith.constant 0 : i32
      %dma_start3A_18 = tpu.memref_slice %arg5[%add3A_16, %dma_start3A_17] : memref<800x128xf32, #tpu.memory_space<hbm>> -> memref<24x128xf32, #tpu.memory_space<hbm>>
      %dma_start3A_19 = arith.constant 0 : i32
      %dma_start3A_20 = tpu.memref_slice %arg5[%add3A_16, %dma_start3A_19] : memref<800x128xf32, #tpu.memory_space<hbm>> -> memref<24x128xf32, #tpu.memory_space<hbm>>
      tpu.enqueue_dma source(%arg7 : memref<24x128xf32, #tpu.memory_space<vmem>>) target(%dma_start3A_20 : memref<24x128xf32, #tpu.memory_space<hbm>>) target_semaphore(%run_scoped3A : memref<!tpu.dma_semaphore, #tpu.memory_space<semaphore_mem>>)
      %dma_wait3A_21 = arith.constant 0 : i32
      %dma_wait3A_22 = tpu.memref_slice %arg5[%add3A_16, %dma_wait3A_21] : memref<800x128xf32, #tpu.memory_space<hbm>> -> memref<24x128xf32, #tpu.memory_space<hbm>>
      %dma_wait3A_23 = arith.constant 0 : i32
      %dma_wait3A_24 = tpu.memref_slice %arg5[%add3A_16, %dma_wait3A_23] : memref<800x128xf32, #tpu.memory_space<hbm>> -> memref<24x128xf32, #tpu.memory_space<hbm>>
      tpu.wait_dma2 semaphore(%run_scoped3A : memref<!tpu.dma_semaphore, #tpu.memory_space<semaphore_mem>>) src(%arg7 : memref<24x128xf32, #tpu.memory_space<vmem>>) dst(%dma_wait3A_24 : memref<24x128xf32, #tpu.memory_space<hbm>>)
      tpu.yield
    }) : () -> ()
    return
  }
}

module attributes {stable_mosaic.version = 14 : i64} {
  func.func @_dense_body(%arg0: i32, %arg1: memref<672x128xf32, #tpu.memory_space<vmem>>, %arg2: memref<128x512xf32, #tpu.memory_space<vmem>>, %arg3: memref<1x512xf32, #tpu.memory_space<vmem>>, %arg4: memref<6144x512xf32, #tpu.memory_space<vmem>>, %arg5: memref<1x6144xf32, #tpu.memory_space<vmem>>, %arg6: memref<21x32x6144xf32, #tpu.memory_space<vmem>>, %arg7: memref<672x512xbf16, #tpu.memory_space<vmem>>) attributes {dimension_semantics = [#tpu.dimension_semantics<arbitrary>], iteration_bounds = array<i64: 17>, scalar_prefetch = 0 : i64, scratch_operands = 1 : i64, tpu.core_type = #tpu.core_type<tc>, window_params = [{transform_indices = @transform_0, window_bounds = array<i64: 672, 128>}, {pipeline_mode = #tpu.pipeline_mode<synchronous>, transform_indices = @transform_1, window_bounds = array<i64: 128, 512>}, {pipeline_mode = #tpu.pipeline_mode<synchronous>, transform_indices = @transform_2, window_bounds = array<i64: 1, 512>}, {transform_indices = @transform_3, window_bounds = array<i64: 6144, 512>}, {transform_indices = @transform_4, window_bounds = array<i64: 1, 6144>}, {transform_indices = @transform_5, window_bounds = array<i64: 21, 32, 6144>}]} {
    %eq3A = arith.constant 0 : i32
    %eq3A_0 = arith.cmpi eq, %arg0, %eq3A : i32
    %convert_element_type3A = arith.extui %eq3A_0 : i1 to i32
    %cond3A = arith.constant 0 : i32
    %cond3A_1 = arith.cmpi ne, %convert_element_type3A, %cond3A : i32
    scf.if %cond3A_1 {
      %get3A_16 = arith.constant 0 : index
      %get3A_17 = arith.constant 0 : index
      %get3A_18 = vector.load %arg1[%get3A_16, %get3A_17] : memref<672x128xf32, #tpu.memory_space<vmem>>, vector<672x128xf32>
      %get3A_19 = arith.constant 0 : index
      %get3A_20 = arith.constant 0 : index
      %get3A_21 = vector.load %arg2[%get3A_19, %get3A_20] : memref<128x512xf32, #tpu.memory_space<vmem>>, vector<128x512xf32>
      %dot_general3A_22 = arith.constant dense<0.000000e+00> : vector<672x512xf32>
      %dot_general3A_23 = tpu.matmul %get3A_18, %get3A_21, %dot_general3A_22 {dimension_numbers = #tpu.dot_dimension_numbers<[1], [0], [0], [1], [0, 0, 1, 1], [], []>, precision = #tpu.contract_precision<fp32>, transpose_lhs_hint = false} : vector<672x128xf32>, vector<128x512xf32>, vector<672x512xf32> -> vector<672x512xf32>
      %get3A_24 = arith.constant 0 : index
      %get3A_25 = arith.constant 0 : index
      %get3A_26 = vector.load %arg3[%get3A_24, %get3A_25] : memref<1x512xf32, #tpu.memory_space<vmem>>, vector<1x512xf32>
      %add3A_27 = vector.broadcast %get3A_26 : vector<1x512xf32> to vector<672x512xf32>
      %add3A_28 = arith.addf %dot_general3A_23, %add3A_27 : vector<672x512xf32>
      %convert_element_type3A_29 = arith.truncf %add3A_28 : vector<672x512xf32> to vector<672x512xbf16>
      %swap3A_30 = arith.constant 0 : index
      %swap3A_31 = arith.constant 0 : index
      %swap3A_32 = vector.load %arg7[%swap3A_30, %swap3A_31] : memref<672x512xbf16, #tpu.memory_space<vmem>>, vector<672x512xbf16>
      tpu.vector_store %arg7[%swap3A_30, %swap3A_31], %convert_element_type3A_29 {strides = array<i32>} : memref<672x512xbf16, #tpu.memory_space<vmem>>, vector<672x512xbf16>,
    } else {
    }
    %get3A = arith.constant 0 : index
    %get3A_2 = arith.constant 0 : index
    %get3A_3 = vector.load %arg7[%get3A, %get3A_2] : memref<672x512xbf16, #tpu.memory_space<vmem>>, vector<672x512xbf16>
    %get3A_4 = arith.constant 0 : index
    %get3A_5 = arith.constant 0 : index
    %get3A_6 = vector.load %arg4[%get3A_4, %get3A_5] : memref<6144x512xf32, #tpu.memory_space<vmem>>, vector<6144x512xf32>
    %convert_element_type3A_7 = arith.truncf %get3A_6 : vector<6144x512xf32> to vector<6144x512xbf16>
    %dot_general3A = arith.constant dense<0.000000e+00> : vector<672x6144xf32>
    %dot_general3A_8 = tpu.matmul %get3A_3, %convert_element_type3A_7, %dot_general3A {dimension_numbers = #tpu.dot_dimension_numbers<[1], [1], [0], [0], [0, 0, 1, 0], [], []>, transpose_lhs_hint = false} : vector<672x512xbf16>, vector<6144x512xbf16>, vector<672x6144xf32> -> vector<672x6144xf32>
    %get3A_9 = arith.constant 0 : index
    %get3A_10 = arith.constant 0 : index
    %get3A_11 = vector.load %arg5[%get3A_9, %get3A_10] : memref<1x6144xf32, #tpu.memory_space<vmem>>, vector<1x6144xf32>
    %add3A = vector.broadcast %get3A_11 : vector<1x6144xf32> to vector<672x6144xf32>
    %add3A_12 = arith.addf %dot_general3A_8, %add3A : vector<672x6144xf32>
    %reshape3A = vector.shape_cast %add3A_12 : vector<672x6144xf32> to vector<21x32x6144xf32>
    %swap3A = arith.constant 0 : index
    %swap3A_13 = arith.constant 0 : index
    %swap3A_14 = arith.constant 0 : index
    %swap3A_15 = vector.load %arg6[%swap3A, %swap3A_13, %swap3A_14] : memref<21x32x6144xf32, #tpu.memory_space<vmem>>, vector<21x32x6144xf32>
    tpu.vector_store %arg6[%swap3A, %swap3A_13, %swap3A_14], %reshape3A {strides = array<i32>} : memref<21x32x6144xf32, #tpu.memory_space<vmem>>, vector<21x32x6144xf32>,
    return
  }
  func.func @transform_0(%arg0: i32) -> (i32, i32) {
    %c0_i32 = arith.constant 0 : i32
    %c0_i32_0 = arith.constant 0 : i32
    %c0_i32_1 = arith.constant 0 : i32
    return %c0_i32, %c0_i32_0 : i32, i32
  }
  func.func @transform_1(%arg0: i32) -> (i32, i32) {
    %c0_i32 = arith.constant 0 : i32
    %c0_i32_0 = arith.constant 0 : i32
    %c0_i32_1 = arith.constant 0 : i32
    return %c0_i32, %c0_i32_0 : i32, i32
  }
  func.func @transform_2(%arg0: i32) -> (i32, i32) {
    %c0_i32 = arith.constant 0 : i32
    %c0_i32_0 = arith.constant 0 : i32
    %c0_i32_1 = arith.constant 0 : i32
    return %c0_i32, %c0_i32_0 : i32, i32
  }
  func.func @transform_3(%arg0: i32) -> (i32, i32) {
    %c0_i32 = arith.constant 0 : i32
    %c0_i32_0 = arith.constant 0 : i32
    return %arg0, %c0_i32 : i32, i32
  }
  func.func @transform_4(%arg0: i32) -> (i32, i32) {
    %c0_i32 = arith.constant 0 : i32
    %c0_i32_0 = arith.constant 0 : i32
    return %c0_i32, %arg0 : i32, i32
  }
  func.func @transform_5(%arg0: i32) -> (i32, i32, i32) {
    %c0_i32 = arith.constant 0 : i32
    %c0_i32_0 = arith.constant 0 : i32
    %c0_i32_1 = arith.constant 0 : i32
    return %c0_i32, %c0_i32_0, %arg0 : i32, i32, i32
  }
}

</mosaic_0001>

<sc_bundles>
// kernel: kernel.4.cloned.1.call-start
scs
__scs_entry_jumppad:
0x0: {  	(pc) =	sbr.rel $0x88, $3  }
0x1: {  	(tag) =	ssettag $0x0;
	lr =	simm.s32 $0x1  }
0x2: {  	[smem:$0x3F9A] =	sst lr;
	_ =	strace $0xD0000000  }
0x3: {  	_ = 	snop  }
0x4: {  	_ = 	snop  }
0x5: {  	_ = 	snop  }
0x6: {  	_ = 	snop  }
0x7: {  	_ = 	snop  }
__scs_overlays_trampoline_lowered:
0x8: {  	[smem:$0x3FA9] =	sst s0  }
0x9: {  	[smem:$0x3FAA] =	sst s1  }
0xa: {  	[smem:$0x3FAB] =	sst s2  }
0xb: {  	[smem:$0x3FAC] =	sst s3  }
0xc: {  	[smem:$0x3FAD] =	sst s4  }
0xd: {  	[smem:$0x3FAE] =	sst s5  }
0xe: {  	[smem:$0x3FAF] =	sst s6  }
0xf: {  	[smem:$0x3FB0] =	sst s7  }
0x10: {  	[smem:$0x3FB1] =	sst s8  }
0x11: {  	[smem:$0x3FB2] =	sst s9;
	s0 =	simm.s32 @!p0 $0x0  }
0x12: {  	s1 =	sld [smem:$0x3F98];
	s0 =	simm.s32 @p0 $0x1  }
0x13: {  	[smem:$0x3FB3] =	sst s0;
	s0 =	simm.s32 @!p1 $0x0  }
0x14: {  	s2 =	sld [smem:$0x3F97];
	s0 =	simm.s32 @p1 $0x1  }
0x15: {  	[smem:$0x3FB4] =	sst s0;
	s0 =	simm.s32 @!p2 $0x0  }
0x16: {  	s3 =	sld [smem:$0x3FDB];
	s0 =	simm.s32 @p2 $0x1  }
0x17: {  	s4 =	simm.s32 $0x1BF5;
	[smem:$0x3FB6] =	sst s0  }
0x18: {  	s0 =	sld [smem:$0x3F99];
	_ =	swait.ge [sflag:s4], $0x0  }
0x19: {  	s7 =	sld [smem:$0x3F9A]  }
0x1a: {  	s8 =	sadd.s32 $0xFFFFE003, lr  }
0x1b: {  	s9 =	sadd.s32 $0xFFFFFEF7, lr;
	s5 =	simm.s32 $0xFFFFFFFF;
	p2 =	slt.u32 s8, $0xFFFFF086  }
0x1c: {  	p1 =	slt.u32 s9, $0xF7A;
	s5 =	simm.s32 @!p2 $0x0  }
0x1d: {  	s5 =	simm.s32 @p1 $0x1;
	p0 =	seq.s32 s7, s2  }
0x1e: {  	s7 =	smul.u32 @!p0 $0xF7A, s2;
	p2 =	seq.s32 @!p0 s5, $0x0  }
0x1f: {  	s9 =	smul.u32 $0xF7A, s1;
	s8 =	simm.s32 @!p0 $0x1BF5;
	p2 =	por !p2, p0  }
0x20: {  	[sflag:s8] =	ssyncset.s32 @!p0 $0xFFFFF086;
	s6 =	sadd.s32 @!p0 s3, s7;
	s7 =	simm.s32 @!p0 $0x108  }
0x21: {  	s3 =	sadd.s32 s3, s9;
	s6 =	sadd.s32 @!p0 $0x88, s6;
	s7 =	simm.s32 @p2 $0x1082  }
0x22: {  	[simem:s7], [sflag:s8] =	dma.local @!p0 [hbm:s6], $0xF7A  }
0x23: {  	s9 =	sor.u32 $0xD0000000, s2;
	s6 =	simm.s32 $0x108;
	_ =	swait.ge @!p0 [sflag:s8], $0x0  }
0x24: {  	s3 =	sadd.s32 $0x88, s3;
	s6 =	simm.s32 @!p1 $0x1082;
	[sflag:s4] =	ssyncset.s32 $0xFFFFF086  }
0x25: {  	[simem:s6], [sflag:s4] =	dma.local [hbm:s3], $0xF7A  }
0x26: {  	[smem:$0x3F9A] =	sst s1;
	(tag) =	ssettag s2;
	_ =	strace s9  }
0x27: {  	s1 =	sld [smem:$0x3FAA]  }
0x28: {  	s2 =	sld [smem:$0x3FAB]  }
0x29: {  	s4 =	sld [smem:$0x3FAD]  }
0x2a: {  	p0 =	seq.s32 s5, $0x0;
	s5 =	sld [smem:$0x3FAE]  }
0x2b: {  	s6 =	sld [smem:$0x3FAF]  }
0x2c: {  	s7 =	sld [smem:$0x3FB0]  }
0x2d: {  	s3 =	simm.s32 $0x108;
	s8 =	sld [smem:$0x3FB1]  }
0x2e: {  	s3 =	simm.s32 @!p0 $0x1082;
	s9 =	sld [smem:$0x3FB2]  }
0x2f: {  	lr =	sadd.s32 s0, s3;
	s0 =	sld [smem:$0x3FA9]  }
0x30: {  	s3 =	sld [smem:$0x3FAC]  }
0x31: {  	[smem:$0x3FB5] =	sst s10  }
0x32: {  	s10 =	sld [smem:$0x3FB3];
	_ =	sdelay $0x3  }
0x33: {  	p0 =	seq.s32 s10, $0x1;
	s10 =	sld [smem:$0x3FB5];
	_ =	sdelay $0x3  }
0x34: {  	[smem:$0x3FB5] =	sst s10  }
0x35: {  	s10 =	sld [smem:$0x3FB4];
	_ =	sdelay $0x3  }
0x36: {  	p1 =	seq.s32 s10, $0x1;
	s10 =	sld [smem:$0x3FB5];
	_ =	sdelay $0x3  }
0x37: {  	[smem:$0x3FB5] =	sst s10  }
0x38: {  	s10 =	sld [smem:$0x3FB6]  }
0x39: {  	_ = 	snop;
	(pc) =	sbr.ind lr, $3  }
0x3a: {  	_ = 	snop  }
0x3b: {  	_ = 	snop  }
0x3c: {  	p2 =	seq.s32 s10, $0x1;
	s10 =	sld [smem:$0x3FB5]  }
0x3d: {  	_ =	shalt  }
0x3e: {  	_ =	shalt  }
0x3f: {  	_ =	shalt  }
0x40: {  	_ =	shalt  }
0x41: {  	_ =	shalt  }
0x42: {  	_ =	shalt  }
0x43: {  	_ =	shalt  }
0x44: {  	_ =	shalt  }
0x45: {  	_ =	shalt  }
0x46: {  	_ =	shalt  }
0x47: {  	_ =	shalt  }
0x48: {  	_ =	shalt  }
0x49: {  	_ =	shalt  }
0x4a: {  	_ =	shalt  }
0x4b: {  	_ =	shalt  }
0x4c: {  	_ =	shalt  }
0x4d: {  	_ =	shalt  }
0x4e: {  	_ =	shalt  }
0x4f: {  	_ =	shalt  }
0x50: {  	_ =	shalt  }
0x51: {  	_ =	shalt  }
0x52: {  	_ =	shalt  }
0x53: {  	_ =	shalt  }
0x54: {  	_ =	shalt  }
0x55: {  	_ =	shalt  }
0x56: {  	_ =	shalt  }
0x57: {  	_ =	shalt  }
0x58: {  	_ =	shalt  }
0x59: {  	_ =	shalt  }
0x5a: {  	_ =	shalt  }
0x5b: {  	_ =	shalt  }
0x5c: {  	_ =	shalt  }
0x5d: {  	_ =	shalt  }
0x5e: {  	_ =	shalt  }
0x5f: {  	_ =	shalt  }
0x60: {  	_ =	shalt  }
0x61: {  	_ =	shalt  }
0x62: {  	_ =	shalt  }
0x63: {  	_ =	shalt  }
0x64: {  	_ =	shalt  }
0x65: {  	_ =	shalt  }
0x66: {  	_ =	shalt  }
0x67: {  	_ =	shalt  }
0x68: {  	_ =	shalt  }
0x69: {  	_ =	shalt  }
0x6a: {  	_ =	shalt  }
0x6b: {  	_ =	shalt  }
0x6c: {  	_ =	shalt  }
0x6d: {  	_ =	shalt  }
0x6e: {  	_ =	shalt  }
0x6f: {  	_ =	shalt  }
0x70: {  	_ =	shalt  }
0x71: {  	_ =	shalt  }
0x72: {  	_ =	shalt  }
0x73: {  	_ =	shalt  }
0x74: {  	_ =	shalt  }
0x75: {  	_ =	shalt  }
0x76: {  	_ =	shalt  }
0x77: {  	_ =	shalt  }
0x78: {  	_ =	shalt  }
0x79: {  	_ =	shalt  }
0x7a: {  	_ =	shalt  }
0x7b: {  	_ =	shalt  }
0x7c: {  	_ =	shalt  }
0x7d: {  	_ =	shalt  }
0x7e: {  	_ =	shalt  }
0x7f: {  	_ =	shalt  }
0x80: {  	_ =	shalt  }
0x81: {  	_ =	shalt  }
0x82: {  	_ =	shalt  }
0x83: {  	_ =	shalt  }
0x84: {  	_ =	shalt  }
0x85: {  	_ =	shalt  }
0x86: {  	_ =	shalt  }
0x87: {  	_ =	shalt  }
.Lfunc_end0:
.L_simem_size_0:
called_computation_lowered:
.L_overlay_start_0:
0x88: {  	s2 =	sld [smem:$0x3FD9]  }
0x89: {  	s3 =	sld [smem:$0x3FFE];
	_ =	sdelay $0x1  }
0x8a: {  	s1 =	srdreg.scid  }
0x8b: {  	s0 =	sand.u32 $0x1, s1  }
0x8c: {  	s17 =	sshll.u32 s0, $0xA;
	s2 =	sadd.s32 s3, s2  }
0x8d: {  	s2 =	sadd.s32 s2, s17  }
0x8e: {  	[smem:$0x3FC1] =	sst s2  }
0x8f: {  	_ = 	snop  }
0x90: {  	s2 =	sld [smem:$0x3FC9]  }
0x91: {  	s18 =	sld [smem:$0x3FC7]  }
0x92: {  	s4 =	sld [smem:$0x3FD0];
	(tm) =	ssettm $0x1  }
0x93: {  	s5 =	sld [smem:$0x3FFB];
	_ =	sdelay $0x3  }
0x94: {  	_ =	strace s5  }
0x95: {  	s5 =	sld [smem:$0x3FFC];
	_ =	sdelay $0x3  }
0x96: {  	_ =	strace s5  }
0x97: {  	s5 =	sld [smem:$0x3FFD];
	_ =	sdelay $0x3  }
0x98: {  	_ =	strace s5  }
0x99: {  	_ =	strace $0x8FFFFFFF  }
0x9a: {  	s19 =	sld [smem:$0x3FDB];
	_ =	sdelay $0x1  }
0x9b: {  	s6 =	simm.s32 $_scs_section_size  }
0x9c: {  	s7 =	simm.s32 $_size__tile_overlayer_lowered;
	s8 =	simm.s32 $_tile_overlayer_lowered  }
0x9d: {  	s22 =	simm.s32 $0x1BFF;
	s21 =	sshll.u32 s8, $0x1;
	s5 =	sadd.s32 s6, s19  }
0x9e: {  	s9 =	simm.s32 $0x0;
	s20 =	sshll.u32 s7, $0x1;
	s7 =	sadd.s32 s21, s5  }
0x9f: {  	[timem:s9], [sflag:s22] =	dma.local [hbm:s7], s20  }
0xa0: {  	_ =	swait.ge [sflag:s22], s20  }
0xa1: {  	s6 =	ssub.s32 $0x0, s20;
	[sflag:s22] =	ssyncset.done $0x0  }
0xa2: {  	[sflag:s22] =	ssyncadd.s32 s6;
	_ =	sdelay $0x1  }
0xa3: {  	s23 =	simm.s32 $0x1B8B  }
0xa4: {  	_ =	swait.ge [sflag:s23], $0x1  }
0xa5: {  	[sflag:s23] =	ssyncset.done $0x0  }
0xa6: {  	s25 =	simm.s32 $0x1B8E;
	s24 =	sld [smem:$0x3FFE];
	[sflag:s23] =	ssyncadd.s32 $0xFFFFFFFF  }
0xa7: {  	s26 =	simm.s32 $execute0_lowered;
	[smem:$0x3FD2] =	sst s25  }
0xa8: {  	s7 =	sshll.u32 s26, $0x1;
	_ =	strace $0x80000046;
	[dreg:$0x1] =	wrdreg $0xFFFFFFFF  }
0xa9: {  	s28 =	simm.s32 $_size_execute0_lowered;
	s5 =	sadd.s32 s5, s7;
	[dreg:$0x0] =	wrdreg $0x0  }
0xaa: {  	s7 =	sshll.u32 s28, $0x1;
	[dreg:$0x2] =	wrdreg s5  }
0xab: {  	[dreg:$0x3] =	wrdreg s7  }
0xac: {  	[dreg:$0x4] =	wrdreg $0xC0  }
0xad: {  	_ =	task [dreg:s9], $0x5FFFF  }
0xae: {  	[dreg:$0x1] =	wrdreg $0xFFFFFFFF  }
0xaf: {  	[dreg:$0x0] =	wrdreg $0x60  }
0xb0: {  	[dreg:$0x2] =	wrdreg s18  }
0xb1: {  	[dreg:$0x3] =	wrdreg s4  }
0xb2: {  	[dreg:$0x4] =	wrdreg s2  }
0xb3: {  	[dreg:$0x5] =	wrdreg s24  }
0xb4: {  	[dreg:$0x6] =	wrdreg $0x9  }
0xb5: {  	_ =	task.clear_ibuf [dreg:s9], $0x7FFFF;
	_ =	strace $0x90000046  }
0xb6: {  	s29 =	simm.s32 $0x9;
	_ =	strace $0x80000048  }
0xb7: {  	_ =	swait.ge [sflag:s29], $0x1  }
0xb8: {  	[sflag:s29] =	ssyncadd.s32 $0xFFFFFFFF  }
0xb9: {  	_ =	strace $0x90000048  }
0xba: {  	_ =	sfence  }
0xbb: {  	s30 =	sld [smem:$0x0];
	_ =	sdelay $0x2  }
0xbc: {  	s31 =	sshll.u32 s1, $0xD;
	s1 =	sshrl.u32 s1, $0x2  }
0xbd: {  	s3 =	sand.u32 $0x4000, s31;
	s1 =	sadd.s32 s1, s30  }
0xbe: {  	s0 =	sor.u32 s3, s0;
	s1 =	sshll.u32 s1, $0x11  }
0xbf: {  	s0 =	sor.u32 s1, s0  }
0xc0: {  	s0 =	sadd.s32 $0x8F2B, s0  }
0xc1: {  	[sflag:s0] =	ssyncadd.remote.s32 $0x1  }
0xc2: {  	_ =	sfence.sel $0xFFFF  }
0xc3: {  	[dreg:$0x0] =	wrdreg $0xFFFFFFFF;
	(pc) =	sbr.abs _section_cstart, $3  }
0xc4: {  	[dreg:$0x1] =	wrdreg $0xFFFFFFFF  }
0xc5: {  	_ =	task.clear_ibuf [dreg:s9], $0x2FFFF;
	_ =	strace $0x9FFFFFFF  }
0xc6: {  	(tm) =	ssettm $0x7FFFFFFF  }
0xc7: {  	_ =	shalt  }
tec
execute0_lowered:
.L_overlay_start_1:
0x0: {  	(tag) =	ssettag $0x1  }
0x1: {  	s1 =	rddreg [dreg:$0x0]  }
0x2: {  	s6 =	rddreg [dreg:$0x1]  }
0x3: {  	s4 =	rddreg [dreg:$0x2]  }
0x4: {  	s5 =	srdreg.scid;
	s2 =	stileid.u32  }
0x5: {  	s11 =	rddreg [dreg:$0x3];
	s12 =	sand.u32 $0x1, s5;
	s30 =	sshll.u32 s2, $0x1  }
0x6: {  	s0 =	rddreg [dreg:$0x4];
	s3 =	simm.s32 $0x0;
	s13 =	sor.u32 s12, s30  }
0x7: {  	[smem:$0x7FF] =	sst s3;
	s5 =	simm.s32 $0xC80;
	s14 =	sshll.u32 s13, $0x4  }
0x8: {  	_ =	strace $0x80000047;
	s7 =	smul.u32 $0x3, s13;
	s4 =	sadd.s32 s4, s14  }
0x9: {  	[tilespmem:s5], [sflag:$0x2] =	stream.linear.gather [hbm4b:s4+s3], $0x80, $0x38;
	[tilespmem:$0xD00] =	vst v63  }
0xa: {  	s7 =	sadd.s32 s6, s7;
	s6 =	simm.s32 $0x3  }
0xb: {  	[tilespmem:s3], [sflag:$0x3] =	stream.linear.gather [hbm4b:s7+s3], $0x18, $0x38;
	[tilespmem:$0xD00] =	vst v63  }
0xc: {  	_ =	swait.ge [sflag:s6], $0x18  }
0xd: {  	s8 =	simm.s32 $0x18;
	[sflag:s6] =	ssyncset.done $0x0  }
0xe: {  	s9 =	simm.s32 $0x80;
	s10 =	simm.s32 $0x2;
	[sflag:s6] =	ssyncadd.s32 $0xFFFFFFE8  }
0xf: {  	[tilespmem:s9], [sflag:$0x1] =	stream.indirect.gather [hbm4b:s1+s8], $0x80, s3, s8, $0xb8;
	[tilespmem:$0xD00] =	vst v63  }
0x10: {  	_ =	swait.ge [sflag:s10], $0x80  }
0x11: {  	s15 =	sadd.s32 $0x400, s11;
	[sflag:s10] =	ssyncset.done $0x0  }
0x12: {  	s31 =	ssub.s32 $0x2, s12;
	s11 =	sadd.s32 s15, s14;
	[sflag:s10] =	ssyncadd.s32 $0xFFFFFF80  }
0x13: {  	[hbm4b:s11+s3] =	stream.linear.scatter [tilespmem:s5], [sflag:$0x3], $0x80, $0x38;
	[tilespmem:$0xD00] =	vst v63  }
0x14: {  	s16 =	sshrl.u32 s31, $0x1;
	_ =	swait.ge [sflag:s6], $0x80  }
0x15: {  	s13 =	smul.u32 $0xC00, s13;
	s14 =	ssub.s32 s31, s16;
	[sflag:s6] =	ssyncset.done $0x0  }
0x16: {  	s12 =	simm.s32 $0x1;
	s14 =	smax.u32 s14, $0x1;
	[sflag:s6] =	ssyncadd.s32 $0xFFFFFF80  }
0x17: {  	s13 =	sshrl.u32 s13, $0x3;
	p0 =	sne.s32 s14, $0x1;
	_ =	swait.ge [sflag:s12], $0xC00  }
.Ltmp0:
0x18: {  	s13 =	sadd.s32 s15, s13;
	[sflag:s12] =	ssyncset.done $0x0;
	(pc) =	sbr.rel @!p0 .LBB2_2-.Ltmp0, $4  }
0x19: {  	s13 =	sadd.s32 $0x200, s13;
	[sflag:s12] =	ssyncadd.s32 $0xFFFFF400  }
0x1a: {  	[hbm4b:s13+s3] =	stream.linear.scatter [tilespmem:s9], [sflag:$0x3], $0xC00, $0x38;
	[tilespmem:$0xD00] =	vst v63  }
0x1b: {  	_ =	swait.ge [sflag:s6], $0xC00  }
0x1c: {  	s14 =	sadd.s32 $0xFFFFFFFF, s14;
	[sflag:s6] =	ssyncset.done $0x0  }
.LBB2_1:
0x1d: {  	p0 =	sne.s32 s14, $0x1;
	s14 =	sadd.s32 $0xFFFFFFFF, s14;
	[sflag:s6] =	ssyncadd.s32 $0xFFFFF400  }
0x1e: {  	[tilespmem:s5], [sflag:$0x2] =	stream.linear.gather [hbm4b:s4+s3], $0x80, $0x38;
	[tilespmem:$0xD00] =	vst v63  }
0x1f: {  	_ = 	snop  }
0x20: {  	[tilespmem:s3], [sflag:$0x3] =	stream.linear.gather [hbm4b:s7+s3], $0x18, $0x38;
	[tilespmem:$0xD00] =	vst v63  }
0x21: {  	_ =	swait.ge [sflag:s6], $0x18  }
0x22: {  	[sflag:s6] =	ssyncset.done $0x0  }
0x23: {  	[sflag:s6] =	ssyncadd.s32 $0xFFFFFFE8  }
0x24: {  	[tilespmem:s9], [sflag:$0x1] =	stream.indirect.gather [hbm4b:s1+s8], $0x80, s3, s8, $0xb8;
	[tilespmem:$0xD00] =	vst v63  }
0x25: {  	_ =	swait.ge [sflag:s10], $0x80  }
0x26: {  	[sflag:s10] =	ssyncset.done $0x0  }
0x27: {  	[sflag:s10] =	ssyncadd.s32 $0xFFFFFF80  }
0x28: {  	[hbm4b:s11+s3] =	stream.linear.scatter [tilespmem:s5], [sflag:$0x3], $0x80, $0x38;
	[tilespmem:$0xD00] =	vst v63  }
0x29: {  	_ =	swait.ge [sflag:s6], $0x80  }
0x2a: {  	[sflag:s6] =	ssyncset.done $0x0  }
0x2b: {  	[sflag:s6] =	ssyncadd.s32 $0xFFFFFF80  }
0x2c: {  	_ =	swait.ge [sflag:s12], $0xC00  }
.Ltmp1:
0x2d: {  	[sflag:s12] =	ssyncset.done $0x0;
	(pc) =	sbr.rel @p0 .LBB2_1-.Ltmp1, $4  }
0x2e: {  	[sflag:s12] =	ssyncadd.s32 $0xFFFFF400  }
0x2f: {  	[hbm4b:s13+s3] =	stream.linear.scatter [tilespmem:s9], [sflag:$0x3], $0xC00, $0x38;
	[tilespmem:$0xD00] =	vst v63  }
0x30: {  	_ =	swait.ge [sflag:s6], $0xC00  }
0x31: {  	[sflag:s6] =	ssyncset.done $0x0  }
.LBB2_2:
0x32: {  	[sflag:s6] =	ssyncadd.s32 $0xFFFFF400  }
0x33: {  	_ =	sfence.sel $0x180000  }
0x34: {  	[bflag:$0x0] =	sbarrier.arrive $0xFFFF  }
0x35: {  	p0 =	sne.s32 s2, $0x0;
	_ =	strace $0x90000047  }
0x36: {  	s0 =	sadd.s32 @!p0 $0x100000, s0;
	[bflag:$0x2] =	sbarrier.arrive $0xFFFF  }
0x37: {  	[sflag:s0] =	ssyncadd.tile.s32 @!p0 $0x1;
	_ =	shalt  }
.Lfunc_end2:
_tile_overlayer_lowered:
.L_overlay_start_2:
0x38: {  	(tag) =	ssettag $0x2  }
0x39: {  	s0 =	rddreg [dreg:$0x0];
	s2 =	stileid.u32  }
0x3a: {  	s1 =	rddreg [dreg:$0x1];
	p0 =	sne.s32 s2, $0x0  }
0x3b: {  	s3 =	rddreg [dreg:$0x2];
	[bflag:$0x3] =	sbarrier.arrive $0xFFFF;
	s2 =	simm.s32 @!p0 $0x1C03  }
0x3c: {  	[timem:s3], [sflag:s2] =	dma.local @!p0 [hbm:s0], s1  }
0x3d: {  	s0 =	simm.s32 @!p0 $0x3  }
0x3e: {  	_ =	swait.ge @!p0 [sflag:s0], s1  }
0x3f: {  	s1 =	ssub.s32 @!p0 $0x0, s1;
	[sflag:s0] =	ssyncset.done @!p0 $0x0  }
0x40: {  	[sflag:s0] =	ssyncadd.s32 @!p0 s1  }
0x41: {  	[bflag:$0x3] =	sbarrier.arrive $0xFFFF  }
0x42: {  	_ =	shalt  }

</sc_bundles>
